<compile_context>
chip_gen: v7x
topology: tpu7x:2x2x1
jax: 0.10.2.dev20260603
libtpu: 0.0.44.dev20260713+nightly
codegen_flags: <defaults>
</compile_context>

<pallas_src>
import functools

import jax
import jax.numpy as jnp
from jax import lax
from jax.experimental import pallas as pl
from jax.experimental.pallas import tpu as pltpu
from jax.experimental.pallas import tpu_sc as plsc

COMMITMENT_COST = 0.25
EPS = 1e-8
BT = 512


def _normalize(x):
    ss = jnp.sum(x * x, axis=-1, keepdims=True)
    norm = ss * lax.rsqrt(ss)
    norm = jnp.where(ss == 0.0, 0.0, norm)
    return x * pl.reciprocal(norm + EPS, approx=True)


def _argmax_body(z_ref, cb_ref, idx_ref, idxflat_ref):
    g = pl.program_id(0)
    K = cb_ref.shape[1]
    z = z_ref[0]
    cb = cb_ref[0]
    zn = _normalize(z).astype(jnp.bfloat16)
    cn = _normalize(cb).astype(jnp.bfloat16)
    sim = lax.dot_general(zn, cn, (((1,), (1,)), ((), ())),
                          preferred_element_type=jnp.float32)
    m = jnp.max(sim, axis=1, keepdims=True)
    ks = lax.broadcasted_iota(jnp.int32, sim.shape, 1)
    idx = jnp.min(jnp.where(sim == m, ks, K), axis=1)
    idx_ref[0, 0, :] = idx
    idxflat_ref[0, 0, :] = idx + g * K


def _run_argmax(z, codebooks):
    G, B, D = z.shape
    K = codebooks.shape[1]
    grid = (G, B // BT)
    return pl.pallas_call(
        _argmax_body,
        grid=grid,
        in_specs=[
            pl.BlockSpec((1, BT, D), lambda g, b: (g, b, 0)),
            pl.BlockSpec((1, K, D), lambda g, b: (g, 0, 0)),
        ],
        out_specs=[
            pl.BlockSpec((1, 1, BT), lambda g, b: (g, 0, b)),
            pl.BlockSpec((1, 1, BT), lambda g, b: (g, 0, b)),
        ],
        out_shape=[
            jax.ShapeDtypeStruct((G, 1, B), jnp.int32),
            jax.ShapeDtypeStruct((G, 1, B), jnp.int32),
        ],
    )(z, codebooks)


def _make_sc_gather(GB, GK, DP):
    info = plsc.get_sparse_core_info()
    NC, NS = info.num_cores, info.num_subcores
    NW = NC * NS
    chunk = GB // NW
    sub = chunk // 2
    cslice = GK // NS

    mesh = plsc.VectorSubcoreMesh(core_axis_name="c", subcore_axis_name="s")

    @functools.partial(
        pl.kernel,
        mesh=mesh,
        out_type=[
            jax.ShapeDtypeStruct((GB, DP), jnp.float32),
            jax.ShapeDtypeStruct((NC, GK), jnp.float32),
        ],
        scratch_types=[
            pltpu.VMEM((chunk,), jnp.int32),
            pltpu.VMEM((sub, DP), jnp.float32),
            pltpu.VMEM((chunk,), jnp.float32),
            pltpu.VMEM((cslice,), jnp.float32),
            pltpu.VMEM_SHARED((GK,), jnp.float32),
            pltpu.SemaphoreType.DMA,
        ],
    )
    def sc_gather(table_hbm, idxflat_hbm, q_hbm, counts_hbm,
                  idx_v, rows_v, ones_v, zbuf, shared_counts, sem):
        c = lax.axis_index("c")
        s = lax.axis_index("s")
        wid = s * NC + c
        base = wid * chunk

        def _fill_z(i, _):
            zbuf[pl.ds(i * 16, 16)] = jnp.zeros((16,), jnp.float32)
            return 0
        lax.fori_loop(0, cslice // 16, _fill_z, 0)

        def _fill_o(i, _):
            ones_v[pl.ds(i * 16, 16)] = jnp.full((16,), 1.0, jnp.float32)
            return 0
        lax.fori_loop(0, chunk // 16, _fill_o, 0)

        pltpu.sync_copy(zbuf, shared_counts.at[pl.ds(s * cslice, cslice)])

        pltpu.sync_copy(idxflat_hbm.at[pl.ds(base, chunk)], idx_v)
        for h in range(2):
            pltpu.async_copy(table_hbm.at[idx_v.at[pl.ds(h * sub, sub)]],
                             rows_v, sem).wait()
            pltpu.sync_copy(rows_v, q_hbm.at[pl.ds(base + h * sub, sub)])

        plsc.subcore_barrier()
        pltpu.sync_copy(ones_v, shared_counts.at[idx_v], add=True)
        plsc.subcore_barrier()

        pltpu.sync_copy(shared_counts.at[pl.ds(s * cslice, cslice)],
                        counts_hbm.at[c, pl.ds(s * cslice, cslice)])

    return sc_gather


def _epilogue_body(q_ref, z_ref, cnt_ref, loss_ref, perp_ref):
    g = pl.program_id(0)
    B = q_ref.shape[1]
    D = q_ref.shape[2]
    d = q_ref[0] - z_ref[0]
    ssq = jnp.sum(d * d)
    contrib = (1.0 + COMMITMENT_COST) * ssq / (B * D)

    @pl.when(g == 0)
    def _():
        loss_ref[:, :] = jnp.zeros((1, 1), jnp.float32)
    loss_ref[:, :] += jnp.full((1, 1), contrib, jnp.float32)

    cnt = cnt_ref[0, 0] + cnt_ref[0, 1]
    probs = cnt * (1.0 / B)
    ent = jnp.sum(probs * jnp.log(probs + 1e-10))
    perp_ref[0, 0, :] = jnp.full((128,), jnp.exp(-ent), jnp.float32)


def _run_epilogue(q, z, counts):
    G, B, D = q.shape
    K = counts.shape[2]
    return pl.pallas_call(
        _epilogue_body,
        grid=(G,),
        in_specs=[
            pl.BlockSpec((1, B, D), lambda g: (g, 0, 0)),
            pl.BlockSpec((1, B, D), lambda g: (g, 0, 0)),
            pl.BlockSpec((1, 2, K), lambda g: (g, 0, 0)),
        ],
        out_specs=[
            pl.BlockSpec((1, 1), lambda g: (0, 0)),
            pl.BlockSpec((1, 1, 128), lambda g: (g, 0, 0)),
        ],
        out_shape=[
            jax.ShapeDtypeStruct((1, 1), jnp.float32),
            jax.ShapeDtypeStruct((G, 1, 128), jnp.float32),
        ],
    )(q, z, counts)


def kernel(pre_q, codebooks):
    B, G, D = pre_q.shape
    K = codebooks.shape[1]
    z = jnp.transpose(pre_q, (1, 0, 2))

    idx_raw, idx_flat = _run_argmax(z, codebooks)

    DP = 128
    table = jnp.pad(codebooks.reshape(G * K, D), ((0, 0), (0, DP - D)))
    sc_gather = _make_sc_gather(G * B, G * K, DP)
    q_pad, counts2 = sc_gather(table, idx_flat.reshape(G * B))
    q_flat = q_pad[:, :D]

    counts = jnp.transpose(counts2.reshape(2, G, K), (1, 0, 2))
    loss2d, perp3d = _run_epilogue(q_flat.reshape(G, B, D), z, counts)

    q = jnp.transpose(q_flat.reshape(G, B, D), (1, 0, 2))
    indices = jnp.transpose(idx_raw[:, 0, :], (1, 0))
    return q, loss2d[0, 0], perp3d[:, 0, 0], indices

# --- scband reference (transcript-rebuilt; emitter-appended) ---
"""Pipeline reference for scband-ae-84928683311583 (READ-ONLY COPY).

The authoritative reference and input builder live on the scoring server;
editing this copy changes nothing except your own understanding.
"""

import jax, jax.numpy as jnp
import numpy as np

B = 4096
G = 8
K = 8192
D = 64
COMMITMENT_COST = 0.25


def setup_inputs(seed: int = 0) -> dict:
    key = jax.random.key(seed)
    k1, k2 = jax.random.split(key)
    pre_q = jax.random.normal(k1, (B, G, D), dtype=jnp.float32)
    # learned parameters: one codebook per latent group, sized per cfg['latent_sizes'] (all K=8192) x embedding dim 64
    codebooks = jax.random.normal(k2, (G, K, D), dtype=jnp.float32) * 0.02
    return {"pre_q": pre_q, "codebooks": codebooks}


def _quantize_one(z, cb, commitment_cost=COMMITMENT_COST, eps=1e-8):
    # cosine-distance vector quantization (dist_type='cosine')
    zn = z / (jnp.linalg.norm(z, axis=-1, keepdims=True) + eps)
    cn = cb / (jnp.linalg.norm(cb, axis=-1, keepdims=True) + eps)
    sim = zn @ cn.T  # [B, K] cosine similarity
    idx = jnp.argmax(sim, axis=-1)  # nearest code under cosine distance
    q = jnp.take(cb, idx, axis=0)  # embedding gather
    e_latent_loss = jnp.mean((jax.lax.stop_gradient(q) - z) ** 2)
    q_latent_loss = jnp.mean((q - jax.lax.stop_gradient(z)) ** 2)
    loss = q_latent_loss + commitment_cost * e_latent_loss
    q_st = z + jax.lax.stop_gradient(q - z)  # straight-through estimator
    encodings = jax.nn.one_hot(idx, cb.shape[0], dtype=jnp.float32)
    avg_probs = jnp.mean(encodings, axis=0)
    perplexity = jnp.exp(-jnp.sum(avg_probs * jnp.log(avg_probs + 1e-10)))
    return loss, q_st, perplexity, idx


def reference(pre_q, codebooks):
    # AE.forward VQ core (labels=None branch): loop over latent groups,
    # quantize pre_q[:, i, :] against vq_list[i]'s codebook, assemble q,
    # per-group commitment losses (llist), perplexities (plist), indices (elist).
    n_groups = pre_q.shape[1]
    losses = []
    qs = []
    perps = []
    idxs = []
    for i in range(n_groups):
        l, q_i, p, e = _quantize_one(pre_q[:, i, :], codebooks[i])
        losses.append(l)
        qs.append(q_i)
        perps.append(p)
        idxs.append(e)
    q = jnp.stack(qs, axis=1)  # [B, G, D]
    commitment_loss = jnp.sum(jnp.stack(losses))  # sum(out['llist'])
    perplexities = jnp.stack(perps)
    indices = jnp.stack(idxs, axis=1)
    return q, commitment_loss, perplexities, indices

if __name__ == "__main__":
    import jax
    _d = setup_inputs()
    print(jax.jit(kernel)(*tuple(_d.values())))

</pallas_src>

<mosaic_0001>
#map = affine_map<(d0, d1) -> (0, 0)>
#map1 = affine_map<(d0, d1) -> (0)>
module attributes {stable_mosaic.version = 14 : i64} {
  func.func @sc_gather(%arg0: i32, %arg1: i32, %arg2: memref<65536x128xf32, #tpu.memory_space<hbm>>, %arg3: memref<32768xi32, #tpu.memory_space<hbm>>, %arg4: memref<32768x128xf32, #tpu.memory_space<hbm>>, %arg5: memref<2x65536xf32, #tpu.memory_space<hbm>>, %arg6: memref<1024xi32, #tpu.memory_space<vmem>>, %arg7: memref<512x128xf32, #tpu.memory_space<vmem>>, %arg8: memref<1024xf32, #tpu.memory_space<vmem>>, %arg9: memref<4096xf32, #tpu.memory_space<vmem>>, %arg10: memref<65536xf32, #tpu.memory_space<vmem_shared>>, %arg11: memref<!tpu.dma_semaphore, #tpu.memory_space<semaphore_mem>>) attributes {dimension_semantics = [#tpu.dimension_semantics<core_parallel>, #tpu.dimension_semantics<subcore_parallel>], iteration_bounds = array<i64: 2, 16>, scalar_prefetch = 0 : i64, scratch_operands = 6 : i64, tpu.core_type = #tpu.core_type<sc_vector_subcore>, window_params = [{transform_indices = #map}, {transform_indices = #map1}, {transform_indices = #map}, {transform_indices = #map}]} {
    %mul3A = arith.constant 2 : i32
    %mul3A_0 = arith.muli %arg1, %mul3A : i32
    %add3A = arith.addi %mul3A_0, %arg0 : i32
    %mul3A_1 = arith.constant 1024 : i32
    %mul3A_2 = arith.muli %add3A, %mul3A_1 : i32
    %scan3A = arith.constant 0 : i32
    %scan3A_3 = arith.constant 0 : i32
    %scan3A_4 = arith.constant 256 : i32
    %scan3A_5 = arith.addi %scan3A_3, %scan3A_4 : i32
    %scan3A_6 = arith.constant 1 : i32
    %scan3A_7 = scf.for %scan3A_45 = %scan3A_3 to %scan3A_5 step %scan3A_6 iter_args(%scan3A_46 = %scan3A) -> (i32)  : i32 {
      %broadcast_in_dim3A = arith.constant 0.000000e+00 : f32
      %broadcast_in_dim3A_47 = vector.broadcast %broadcast_in_dim3A : f32 to vector<16xf32>
      %mul3A_48 = arith.constant 16 : i32
      %mul3A_49 = arith.muli %scan3A_45, %mul3A_48 : i32
      %swap3A = arith.index_cast %mul3A_49 : i32 to index
      %swap3A_50 = tpu.vector_load %arg9[%swap3A] {strides = array<i32>} : memref<4096xf32, #tpu.memory_space<vmem>>, vector<16xf32>,
      %swap3A_51 = vector.shape_cast %swap3A_50 : vector<16xf32> to vector<16xf32>
      %swap3A_52 = vector.shape_cast %broadcast_in_dim3A_47 : vector<16xf32> to vector<16xf32>
      tpu.vector_store %arg9[%swap3A], %swap3A_52 {strides = array<i32>} : memref<4096xf32, #tpu.memory_space<vmem>>, vector<16xf32>,
      %scan3A_53 = arith.constant 0 : i32
      scf.yield %scan3A_53 : i32
    }
    %scan3A_8 = arith.constant 256 : i32
    %scan3A_9 = arith.constant 0 : i32
    %scan3A_10 = arith.constant 0 : i32
    %scan3A_11 = arith.constant 64 : i32
    %scan3A_12 = arith.addi %scan3A_10, %scan3A_11 : i32
    %scan3A_13 = arith.constant 1 : i32
    %scan3A_14 = scf.for %scan3A_45 = %scan3A_10 to %scan3A_12 step %scan3A_13 iter_args(%scan3A_46 = %scan3A_9) -> (i32)  : i32 {
      %broadcast_in_dim3A = arith.constant 1.000000e+00 : f32
      %broadcast_in_dim3A_47 = vector.broadcast %broadcast_in_dim3A : f32 to vector<16xf32>
      %mul3A_48 = arith.constant 16 : i32
      %mul3A_49 = arith.muli %scan3A_45, %mul3A_48 : i32
      %swap3A = arith.index_cast %mul3A_49 : i32 to index
      %swap3A_50 = tpu.vector_load %arg8[%swap3A] {strides = array<i32>} : memref<1024xf32, #tpu.memory_space<vmem>>, vector<16xf32>,
      %swap3A_51 = vector.shape_cast %swap3A_50 : vector<16xf32> to vector<16xf32>
      %swap3A_52 = vector.shape_cast %broadcast_in_dim3A_47 : vector<16xf32> to vector<16xf32>
      tpu.vector_store %arg8[%swap3A], %swap3A_52 {strides = array<i32>} : memref<1024xf32, #tpu.memory_space<vmem>>, vector<16xf32>,
      %scan3A_53 = arith.constant 0 : i32
      scf.yield %scan3A_53 : i32
    }
    %scan3A_15 = arith.constant 64 : i32
    %mul3A_16 = arith.constant 4096 : i32
    %mul3A_17 = arith.muli %arg1, %mul3A_16 : i32
    "tpu.region"() ({
      %run_scoped3A = tpu.sem_alloc : memref<!tpu.dma_semaphore, #tpu.memory_space<semaphore_mem>>
      %dma_start3A_45 = tpu.memref_slice %arg10[%mul3A_17] : memref<65536xf32, #tpu.memory_space<vmem_shared>> -> memref<4096xf32, #tpu.memory_space<vmem_shared>>
      %dma_start3A_46 = tpu.memref_slice %arg10[%mul3A_17] : memref<65536xf32, #tpu.memory_space<vmem_shared>> -> memref<4096xf32, #tpu.memory_space<vmem_shared>>
      tpu.enqueue_dma source(%arg9 : memref<4096xf32, #tpu.memory_space<vmem>>) target(%dma_start3A_46 : memref<4096xf32, #tpu.memory_space<vmem_shared>>) target_semaphore(%run_scoped3A : memref<!tpu.dma_semaphore, #tpu.memory_space<semaphore_mem>>)
      %dma_wait3A_47 = tpu.memref_slice %arg10[%mul3A_17] : memref<65536xf32, #tpu.memory_space<vmem_shared>> -> memref<4096xf32, #tpu.memory_space<vmem_shared>>
      %dma_wait3A_48 = tpu.memref_slice %arg10[%mul3A_17] : memref<65536xf32, #tpu.memory_space<vmem_shared>> -> memref<4096xf32, #tpu.memory_space<vmem_shared>>
      tpu.wait_dma2 semaphore(%run_scoped3A : memref<!tpu.dma_semaphore, #tpu.memory_space<semaphore_mem>>) src(%arg9 : memref<4096xf32, #tpu.memory_space<vmem>>) dst(%dma_wait3A_48 : memref<4096xf32, #tpu.memory_space<vmem_shared>>)
      tpu.yield
    }) : () -> ()
    "tpu.region"() ({
      %run_scoped3A = tpu.sem_alloc : memref<!tpu.dma_semaphore, #tpu.memory_space<semaphore_mem>>
      %dma_start3A_45 = tpu.memref_slice %arg3[%mul3A_2] : memref<32768xi32, #tpu.memory_space<hbm>> -> memref<1024xi32, #tpu.memory_space<hbm>>
      %dma_start3A_46 = tpu.memref_slice %arg3[%mul3A_2] : memref<32768xi32, #tpu.memory_space<hbm>> -> memref<1024xi32, #tpu.memory_space<hbm>>
      tpu.enqueue_dma source(%dma_start3A_46 : memref<1024xi32, #tpu.memory_space<hbm>>) target(%arg6 : memref<1024xi32, #tpu.memory_space<vmem>>) target_semaphore(%run_scoped3A : memref<!tpu.dma_semaphore, #tpu.memory_space<semaphore_mem>>)
      %dma_wait3A_47 = tpu.memref_slice %arg3[%mul3A_2] : memref<32768xi32, #tpu.memory_space<hbm>> -> memref<1024xi32, #tpu.memory_space<hbm>>
      %dma_wait3A_48 = tpu.memref_slice %arg3[%mul3A_2] : memref<32768xi32, #tpu.memory_space<hbm>> -> memref<1024xi32, #tpu.memory_space<hbm>>
      tpu.wait_dma2 semaphore(%run_scoped3A : memref<!tpu.dma_semaphore, #tpu.memory_space<semaphore_mem>>) src(%dma_wait3A_48 : memref<1024xi32, #tpu.memory_space<hbm>>) dst(%arg6 : memref<1024xi32, #tpu.memory_space<vmem>>)
      tpu.yield
    }) : () -> ()
    %dma_start3A = arith.constant 0 : i32
    %dma_start3A_18 = tpu.memref_slice %arg6[%dma_start3A] : memref<1024xi32, #tpu.memory_space<vmem>> -> memref<512xi32, #tpu.memory_space<vmem>>
    %dma_start3A_19 = arith.constant 0 : i32
    %dma_start3A_20 = arith.constant 0 : i32
    %dma_start3A_21 = tpu.memref_slice %arg2[%dma_start3A_19, %dma_start3A_20] : memref<65536x128xf32, #tpu.memory_space<hbm>> -> memref<65536x128xf32, #tpu.memory_space<hbm>>
    tpu.enqueue_indirect_dma source(%dma_start3A_21 : memref<65536x128xf32, #tpu.memory_space<hbm>>) target(%arg7 : memref<512x128xf32, #tpu.memory_space<vmem>>) offsets(%dma_start3A_18 : memref<512xi32, #tpu.memory_space<vmem>>) semaphore(%arg11 : memref<!tpu.dma_semaphore, #tpu.memory_space<semaphore_mem>>)
    %dma_wait3A = arith.constant 0 : i32
    %dma_wait3A_22 = tpu.memref_slice %arg6[%dma_wait3A] : memref<1024xi32, #tpu.memory_space<vmem>> -> memref<512xi32, #tpu.memory_space<vmem>>
    %dma_wait3A_23 = arith.constant 0 : i32
    %dma_wait3A_24 = arith.constant 0 : i32
    %dma_wait3A_25 = tpu.memref_slice %arg2[%dma_wait3A_23, %dma_wait3A_24] : memref<65536x128xf32, #tpu.memory_space<hbm>> -> memref<65536x128xf32, #tpu.memory_space<hbm>>
    tpu.wait_indirect_dma semaphore(%arg11 : memref<!tpu.dma_semaphore, #tpu.memory_space<semaphore_mem>>) src(%dma_wait3A_25 : memref<65536x128xf32, #tpu.memory_space<hbm>>) dst(%arg7 : memref<512x128xf32, #tpu.memory_space<vmem>>)
    %add3A_26 = arith.constant 0 : i32
    %add3A_27 = arith.addi %mul3A_2, %add3A_26 : i32
    "tpu.region"() ({
      %run_scoped3A = tpu.sem_alloc : memref<!tpu.dma_semaphore, #tpu.memory_space<semaphore_mem>>
      %dma_start3A_45 = arith.constant 0 : i32
      %dma_start3A_46 = tpu.memref_slice %arg4[%add3A_27, %dma_start3A_45] : memref<32768x128xf32, #tpu.memory_space<hbm>> -> memref<512x128xf32, #tpu.memory_space<hbm>>
      %dma_start3A_47 = arith.constant 0 : i32
      %dma_start3A_48 = tpu.memref_slice %arg4[%add3A_27, %dma_start3A_47] : memref<32768x128xf32, #tpu.memory_space<hbm>> -> memref<512x128xf32, #tpu.memory_space<hbm>>
      tpu.enqueue_dma source(%arg7 : memref<512x128xf32, #tpu.memory_space<vmem>>) target(%dma_start3A_48 : memref<512x128xf32, #tpu.memory_space<hbm>>) target_semaphore(%run_scoped3A : memref<!tpu.dma_semaphore, #tpu.memory_space<semaphore_mem>>)
      %dma_wait3A_49 = arith.constant 0 : i32
      %dma_wait3A_50 = tpu.memref_slice %arg4[%add3A_27, %dma_wait3A_49] : memref<32768x128xf32, #tpu.memory_space<hbm>> -> memref<512x128xf32, #tpu.memory_space<hbm>>
      %dma_wait3A_51 = arith.constant 0 : i32
      %dma_wait3A_52 = tpu.memref_slice %arg4[%add3A_27, %dma_wait3A_51] : memref<32768x128xf32, #tpu.memory_space<hbm>> -> memref<512x128xf32, #tpu.memory_space<hbm>>
      tpu.wait_dma2 semaphore(%run_scoped3A : memref<!tpu.dma_semaphore, #tpu.memory_space<semaphore_mem>>) src(%arg7 : memref<512x128xf32, #tpu.memory_space<vmem>>) dst(%dma_wait3A_52 : memref<512x128xf32, #tpu.memory_space<hbm>>)
      tpu.yield
    }) : () -> ()
    %dma_start3A_28 = arith.constant 512 : i32
    %dma_start3A_29 = tpu.memref_slice %arg6[%dma_start3A_28] : memref<1024xi32, #tpu.memory_space<vmem>> -> memref<512xi32, #tpu.memory_space<vmem>>
    %dma_start3A_30 = arith.constant 0 : i32
    %dma_start3A_31 = arith.constant 0 : i32
    %dma_start3A_32 = tpu.memref_slice %arg2[%dma_start3A_30, %dma_start3A_31] : memref<65536x128xf32, #tpu.memory_space<hbm>> -> memref<65536x128xf32, #tpu.memory_space<hbm>>
    tpu.enqueue_indirect_dma source(%dma_start3A_32 : memref<65536x128xf32, #tpu.memory_space<hbm>>) target(%arg7 : memref<512x128xf32, #tpu.memory_space<vmem>>) offsets(%dma_start3A_29 : memref<512xi32, #tpu.memory_space<vmem>>) semaphore(%arg11 : memref<!tpu.dma_semaphore, #tpu.memory_space<semaphore_mem>>)
    %dma_wait3A_33 = arith.constant 512 : i32
    %dma_wait3A_34 = tpu.memref_slice %arg6[%dma_wait3A_33] : memref<1024xi32, #tpu.memory_space<vmem>> -> memref<512xi32, #tpu.memory_space<vmem>>
    %dma_wait3A_35 = arith.constant 0 : i32
    %dma_wait3A_36 = arith.constant 0 : i32
    %dma_wait3A_37 = tpu.memref_slice %arg2[%dma_wait3A_35, %dma_wait3A_36] : memref<65536x128xf32, #tpu.memory_space<hbm>> -> memref<65536x128xf32, #tpu.memory_space<hbm>>
    tpu.wait_indirect_dma semaphore(%arg11 : memref<!tpu.dma_semaphore, #tpu.memory_space<semaphore_mem>>) src(%dma_wait3A_37 : memref<65536x128xf32, #tpu.memory_space<hbm>>) dst(%arg7 : memref<512x128xf32, #tpu.memory_space<vmem>>)
    %add3A_38 = arith.constant 512 : i32
    %add3A_39 = arith.addi %mul3A_2, %add3A_38 : i32
    "tpu.region"() ({
      %run_scoped3A = tpu.sem_alloc : memref<!tpu.dma_semaphore, #tpu.memory_space<semaphore_mem>>
      %dma_start3A_45 = arith.constant 0 : i32
      %dma_start3A_46 = tpu.memref_slice %arg4[%add3A_39, %dma_start3A_45] : memref<32768x128xf32, #tpu.memory_space<hbm>> -> memref<512x128xf32, #tpu.memory_space<hbm>>
      %dma_start3A_47 = arith.constant 0 : i32
      %dma_start3A_48 = tpu.memref_slice %arg4[%add3A_39, %dma_start3A_47] : memref<32768x128xf32, #tpu.memory_space<hbm>> -> memref<512x128xf32, #tpu.memory_space<hbm>>
      tpu.enqueue_dma source(%arg7 : memref<512x128xf32, #tpu.memory_space<vmem>>) target(%dma_start3A_48 : memref<512x128xf32, #tpu.memory_space<hbm>>) target_semaphore(%run_scoped3A : memref<!tpu.dma_semaphore, #tpu.memory_space<semaphore_mem>>)
      %dma_wait3A_49 = arith.constant 0 : i32
      %dma_wait3A_50 = tpu.memref_slice %arg4[%add3A_39, %dma_wait3A_49] : memref<32768x128xf32, #tpu.memory_space<hbm>> -> memref<512x128xf32, #tpu.memory_space<hbm>>
      %dma_wait3A_51 = arith.constant 0 : i32
      %dma_wait3A_52 = tpu.memref_slice %arg4[%add3A_39, %dma_wait3A_51] : memref<32768x128xf32, #tpu.memory_space<hbm>> -> memref<512x128xf32, #tpu.memory_space<hbm>>
      tpu.wait_dma2 semaphore(%run_scoped3A : memref<!tpu.dma_semaphore, #tpu.memory_space<semaphore_mem>>) src(%arg7 : memref<512x128xf32, #tpu.memory_space<vmem>>) dst(%dma_wait3A_52 : memref<512x128xf32, #tpu.memory_space<hbm>>)
      tpu.yield
    }) : () -> ()
    %barrier3A = arith.constant 0 : index
    tpu.barrier barrier_id(%barrier3A)
    "tpu.region"() ({
      %run_scoped3A = tpu.sem_alloc : memref<!tpu.dma_semaphore, #tpu.memory_space<semaphore_mem>>
      %dma_start3A_45 = arith.constant 0 : i32
      %dma_start3A_46 = tpu.memref_slice %arg10[%dma_start3A_45] : memref<65536xf32, #tpu.memory_space<vmem_shared>> -> memref<65536xf32, #tpu.memory_space<vmem_shared>>
      tpu.enqueue_indirect_dma source(%arg8 : memref<1024xf32, #tpu.memory_space<vmem>>) target(%dma_start3A_46 : memref<65536xf32, #tpu.memory_space<vmem_shared>>) offsets(%arg6 : memref<1024xi32, #tpu.memory_space<vmem>>) semaphore(%run_scoped3A : memref<!tpu.dma_semaphore, #tpu.memory_space<semaphore_mem>>) {add = true}
      %dma_wait3A_47 = arith.constant 0 : i32
      %dma_wait3A_48 = tpu.memref_slice %arg10[%dma_wait3A_47] : memref<65536xf32, #tpu.memory_space<vmem_shared>> -> memref<65536xf32, #tpu.memory_space<vmem_shared>>
      tpu.wait_indirect_dma semaphore(%run_scoped3A : memref<!tpu.dma_semaphore, #tpu.memory_space<semaphore_mem>>) src(%arg8 : memref<1024xf32, #tpu.memory_space<vmem>>) dst(%dma_wait3A_48 : memref<65536xf32, #tpu.memory_space<vmem_shared>>)
      tpu.yield
    }) : () -> ()
    %barrier3A_40 = arith.constant 0 : index
    tpu.barrier barrier_id(%barrier3A_40)
    %mul3A_41 = arith.constant 4096 : i32
    %mul3A_42 = arith.muli %arg1, %mul3A_41 : i32
    %mul3A_43 = arith.constant 4096 : i32
    %mul3A_44 = arith.muli %arg1, %mul3A_43 : i32
    "tpu.region"() ({
      %run_scoped3A = tpu.sem_alloc : memref<!tpu.dma_semaphore, #tpu.memory_space<semaphore_mem>>
      %dma_start3A_45 = tpu.memref_slice %arg5[%arg0, %mul3A_44] : memref<2x65536xf32, #tpu.memory_space<hbm>> -> memref<1x4096xf32, #tpu.memory_space<hbm>>
      %dma_start3A_46 = tpu.memref_squeeze %dma_start3A_45 : memref<1x4096xf32, #tpu.memory_space<hbm>> -> memref<4096xf32, #tpu.memory_space<hbm>>
      %dma_start3A_47 = tpu.memref_slice %arg10[%mul3A_42] : memref<65536xf32, #tpu.memory_space<vmem_shared>> -> memref<4096xf32, #tpu.memory_space<vmem_shared>>
      tpu.enqueue_dma source(%dma_start3A_47 : memref<4096xf32, #tpu.memory_space<vmem_shared>>) target(%dma_start3A_46 : memref<4096xf32, #tpu.memory_space<hbm>>) target_semaphore(%run_scoped3A : memref<!tpu.dma_semaphore, #tpu.memory_space<semaphore_mem>>)
      %dma_wait3A_48 = tpu.memref_slice %arg5[%arg0, %mul3A_44] : memref<2x65536xf32, #tpu.memory_space<hbm>> -> memref<1x4096xf32, #tpu.memory_space<hbm>>
      %dma_wait3A_49 = tpu.memref_squeeze %dma_wait3A_48 : memref<1x4096xf32, #tpu.memory_space<hbm>> -> memref<4096xf32, #tpu.memory_space<hbm>>
      %dma_wait3A_50 = tpu.memref_slice %arg10[%mul3A_42] : memref<65536xf32, #tpu.memory_space<vmem_shared>> -> memref<4096xf32, #tpu.memory_space<vmem_shared>>
      tpu.wait_dma2 semaphore(%run_scoped3A : memref<!tpu.dma_semaphore, #tpu.memory_space<semaphore_mem>>) src(%dma_wait3A_50 : memref<4096xf32, #tpu.memory_space<vmem_shared>>) dst(%dma_wait3A_49 : memref<4096xf32, #tpu.memory_space<hbm>>)
      tpu.yield
    }) : () -> ()
    return
  }
}

module attributes {stable_mosaic.version = 14 : i64} {
  func.func @_argmax_body(%arg0: i32, %arg1: i32, %arg2: memref<1x512x64xf32, #tpu.memory_space<vmem>>, %arg3: memref<1x8192x64xf32, #tpu.memory_space<vmem>>, %arg4: memref<1x1x512xi32, #tpu.memory_space<vmem>>, %arg5: memref<1x1x512xi32, #tpu.memory_space<vmem>>) attributes {dimension_semantics = [#tpu.dimension_semantics<arbitrary>, #tpu.dimension_semantics<arbitrary>], iteration_bounds = array<i64: 8, 8>, scalar_prefetch = 0 : i64, scratch_operands = 0 : i64, tpu.core_type = #tpu.core_type<tc>, window_params = [{transform_indices = @transform_0, window_bounds = array<i64: 1, 512, 64>}, {transform_indices = @transform_1, window_bounds = array<i64: 1, 8192, 64>}, {transform_indices = @transform_2, window_bounds = array<i64: 1, 1, 512>}, {transform_indices = @transform_3, window_bounds = array<i64: 1, 1, 512>}]} {
    %get3A = arith.constant 0 : index
    %get3A_0 = arith.constant 0 : index
    %get3A_1 = arith.constant 0 : index
    %get3A_2 = vector.load %arg2[%get3A, %get3A_0, %get3A_1] : memref<1x512x64xf32, #tpu.memory_space<vmem>>, vector<1x512x64xf32>
    %get3A_3 = vector.shape_cast %get3A_2 : vector<1x512x64xf32> to vector<512x64xf32>
    %get3A_4 = arith.constant 0 : index
    %get3A_5 = arith.constant 0 : index
    %get3A_6 = arith.constant 0 : index
    %get3A_7 = vector.load %arg3[%get3A_4, %get3A_5, %get3A_6] : memref<1x8192x64xf32, #tpu.memory_space<vmem>>, vector<1x8192x64xf32>
    %get3A_8 = vector.shape_cast %get3A_7 : vector<1x8192x64xf32> to vector<8192x64xf32>
    %mul3A = arith.mulf %get3A_3, %get3A_3 : vector<512x64xf32>
    %reduce_sum3A = arith.constant dense<0.000000e+00> : vector<512xf32>
    %reduce_sum3A_9 = vector.multi_reduction <add>, %mul3A, %reduce_sum3A [1] : vector<512x64xf32> to vector<512xf32>
    %broadcast_in_dim3A = vector.shape_cast %reduce_sum3A_9 : vector<512xf32> to vector<512x1xf32>
    %rsqrt3A = math.rsqrt %broadcast_in_dim3A : vector<512x1xf32>
    %mul3A_10 = arith.mulf %broadcast_in_dim3A, %rsqrt3A : vector<512x1xf32>
    %eq3A = arith.constant 0.000000e+00 : f32
    %eq3A_11 = vector.broadcast %eq3A : f32 to vector<512x1xf32>
    %eq3A_12 = arith.cmpf oeq, %broadcast_in_dim3A, %eq3A_11 : vector<512x1xf32>
    %jit3A = arith.constant 0.000000e+00 : f32
    %broadcast_in_dim3A_13 = vector.broadcast %jit3A : f32 to vector<512x1xf32>
    %select_n3A = arith.select %eq3A_12, %broadcast_in_dim3A_13, %mul3A_10 : vector<512x1xi1>, vector<512x1xf32>
    %add3A = arith.constant 9.99999993E-9 : f32
    %add3A_14 = vector.broadcast %add3A : f32 to vector<512x1xf32>
    %add3A_15 = arith.addf %select_n3A, %add3A_14 : vector<512x1xf32>
    %reciprocal3A = tpu.reciprocal %add3A_15 {approx = true} : vector<512x1xf32> -> vector<512x1xf32>
    %mul3A_16 = vector.broadcast %reciprocal3A : vector<512x1xf32> to vector<512x64xf32>
    %mul3A_17 = arith.mulf %get3A_3, %mul3A_16 : vector<512x64xf32>
    %convert_element_type3A = arith.truncf %mul3A_17 : vector<512x64xf32> to vector<512x64xbf16>
    %mul3A_18 = arith.mulf %get3A_8, %get3A_8 : vector<8192x64xf32>
    %reduce_sum3A_19 = arith.constant dense<0.000000e+00> : vector<8192xf32>
    %reduce_sum3A_20 = vector.multi_reduction <add>, %mul3A_18, %reduce_sum3A_19 [1] : vector<8192x64xf32> to vector<8192xf32>
    %broadcast_in_dim3A_21 = vector.shape_cast %reduce_sum3A_20 : vector<8192xf32> to vector<8192x1xf32>
    %rsqrt3A_22 = math.rsqrt %broadcast_in_dim3A_21 : vector<8192x1xf32>
    %mul3A_23 = arith.mulf %broadcast_in_dim3A_21, %rsqrt3A_22 : vector<8192x1xf32>
    %eq3A_24 = arith.constant 0.000000e+00 : f32
    %eq3A_25 = vector.broadcast %eq3A_24 : f32 to vector<8192x1xf32>
    %eq3A_26 = arith.cmpf oeq, %broadcast_in_dim3A_21, %eq3A_25 : vector<8192x1xf32>
    %jit3A_27 = arith.constant 0.000000e+00 : f32
    %broadcast_in_dim3A_28 = vector.broadcast %jit3A_27 : f32 to vector<8192x1xf32>
    %select_n3A_29 = arith.select %eq3A_26, %broadcast_in_dim3A_28, %mul3A_23 : vector<8192x1xi1>, vector<8192x1xf32>
    %add3A_30 = arith.constant 9.99999993E-9 : f32
    %add3A_31 = vector.broadcast %add3A_30 : f32 to vector<8192x1xf32>
    %add3A_32 = arith.addf %select_n3A_29, %add3A_31 : vector<8192x1xf32>
    %reciprocal3A_33 = tpu.reciprocal %add3A_32 {approx = true} : vector<8192x1xf32> -> vector<8192x1xf32>
    %mul3A_34 = vector.broadcast %reciprocal3A_33 : vector<8192x1xf32> to vector<8192x64xf32>
    %mul3A_35 = arith.mulf %get3A_8, %mul3A_34 : vector<8192x64xf32>
    %convert_element_type3A_36 = arith.truncf %mul3A_35 : vector<8192x64xf32> to vector<8192x64xbf16>
    %dot_general3A = arith.constant dense<0.000000e+00> : vector<512x8192xf32>
    %dot_general3A_37 = tpu.matmul %convert_element_type3A, %convert_element_type3A_36, %dot_general3A {dimension_numbers = #tpu.dot_dimension_numbers<[1], [1], [0], [0], [0, 0, 1, 0], [], []>, transpose_lhs_hint = false} : vector<512x64xbf16>, vector<8192x64xbf16>, vector<512x8192xf32> -> vector<512x8192xf32>
    %reduce_max3A = arith.constant dense<0xFF800000> : vector<512xf32>
    %reduce_max3A_38 = vector.multi_reduction <maximumf>, %dot_general3A_37, %reduce_max3A [1] : vector<512x8192xf32> to vector<512xf32>
    %broadcast_in_dim3A_39 = vector.shape_cast %reduce_max3A_38 : vector<512xf32> to vector<512x1xf32>
    %iota3A = tpu.iota {dimensions = array<i32: 1>} : vector<512x8192xi32>
    %eq3A_40 = vector.broadcast %broadcast_in_dim3A_39 : vector<512x1xf32> to vector<512x8192xf32>
    %eq3A_41 = arith.cmpf oeq, %dot_general3A_37, %eq3A_40 : vector<512x8192xf32>
    %jit3A_42 = arith.constant 8192 : i32
    %broadcast_in_dim3A_43 = vector.broadcast %jit3A_42 : i32 to vector<512x8192xi32>
    %select_n3A_44 = arith.select %eq3A_41, %iota3A, %broadcast_in_dim3A_43 : vector<512x8192xi1>, vector<512x8192xi32>
    %reduce_min3A = arith.constant dense<2147483647> : vector<512xi32>
    %reduce_min3A_45 = vector.multi_reduction <minsi>, %select_n3A_44, %reduce_min3A [1] : vector<512x8192xi32> to vector<512xi32>
    %swap3A = arith.constant 0 : index
    %swap3A_46 = arith.constant 0 : index
    %swap3A_47 = arith.constant 0 : index
    %swap3A_48 = vector.load %arg4[%swap3A, %swap3A_46, %swap3A_47] : memref<1x1x512xi32, #tpu.memory_space<vmem>>, vector<1x1x512xi32>
    %swap3A_49 = vector.shape_cast %swap3A_48 : vector<1x1x512xi32> to vector<512xi32>
    %swap3A_50 = vector.shape_cast %reduce_min3A_45 : vector<512xi32> to vector<1x1x512xi32>
    tpu.vector_store %arg4[%swap3A, %swap3A_46, %swap3A_47], %swap3A_50 {strides = array<i32>} : memref<1x1x512xi32, #tpu.memory_space<vmem>>, vector<1x1x512xi32>,
    %mul3A_51 = arith.constant 8192 : i32
    %mul3A_52 = arith.muli %arg0, %mul3A_51 : i32
    %add3A_53 = vector.broadcast %mul3A_52 : i32 to vector<512xi32>
    %add3A_54 = arith.addi %reduce_min3A_45, %add3A_53 : vector<512xi32>
    %swap3A_55 = arith.constant 0 : index
    %swap3A_56 = arith.constant 0 : index
    %swap3A_57 = arith.constant 0 : index
    %swap3A_58 = vector.load %arg5[%swap3A_55, %swap3A_56, %swap3A_57] : memref<1x1x512xi32, #tpu.memory_space<vmem>>, vector<1x1x512xi32>
    %swap3A_59 = vector.shape_cast %swap3A_58 : vector<1x1x512xi32> to vector<512xi32>
    %swap3A_60 = vector.shape_cast %add3A_54 : vector<512xi32> to vector<1x1x512xi32>
    tpu.vector_store %arg5[%swap3A_55, %swap3A_56, %swap3A_57], %swap3A_60 {strides = array<i32>} : memref<1x1x512xi32, #tpu.memory_space<vmem>>, vector<1x1x512xi32>,
    return
  }
  func.func @transform_0(%arg0: i32, %arg1: i32) -> (i32, i32, i32) {
    %c0_i32 = arith.constant 0 : i32
    %c0_i32_0 = arith.constant 0 : i32
    return %arg0, %arg1, %c0_i32 : i32, i32, i32
  }
  func.func @transform_1(%arg0: i32, %arg1: i32) -> (i32, i32, i32) {
    %c0_i32 = arith.constant 0 : i32
    %c0_i32_0 = arith.constant 0 : i32
    %c0_i32_1 = arith.constant 0 : i32
    return %arg0, %c0_i32, %c0_i32_0 : i32, i32, i32
  }
  func.func @transform_2(%arg0: i32, %arg1: i32) -> (i32, i32, i32) {
    %c0_i32 = arith.constant 0 : i32
    %c0_i32_0 = arith.constant 0 : i32
    return %arg0, %c0_i32, %arg1 : i32, i32, i32
  }
  func.func @transform_3(%arg0: i32, %arg1: i32) -> (i32, i32, i32) {
    %c0_i32 = arith.constant 0 : i32
    %c0_i32_0 = arith.constant 0 : i32
    return %arg0, %c0_i32, %arg1 : i32, i32, i32
  }
}

module attributes {stable_mosaic.version = 14 : i64} {
  func.func @_epilogue_body(%arg0: i32, %arg1: memref<1x4096x64xf32, #tpu.memory_space<vmem>>, %arg2: memref<1x4096x64xf32, #tpu.memory_space<vmem>>, %arg3: memref<1x2x8192xf32, #tpu.memory_space<vmem>>, %arg4: memref<1x1xf32, #tpu.memory_space<vmem>>, %arg5: memref<1x1x128xf32, #tpu.memory_space<vmem>>) attributes {dimension_semantics = [#tpu.dimension_semantics<arbitrary>], iteration_bounds = array<i64: 8>, scalar_prefetch = 0 : i64, scratch_operands = 0 : i64, tpu.core_type = #tpu.core_type<tc>, window_params = [{transform_indices = @transform_0, window_bounds = array<i64: 1, 4096, 64>}, {transform_indices = @transform_1, window_bounds = array<i64: 1, 4096, 64>}, {transform_indices = @transform_2, window_bounds = array<i64: 1, 2, 8192>}, {pipeline_mode = #tpu.pipeline_mode<synchronous>, transform_indices = @transform_3, window_bounds = array<i64: 1, 1>}, {transform_indices = @transform_4, window_bounds = array<i64: 1, 1, 128>}]} {
    %get3A = arith.constant 0 : index
    %get3A_0 = arith.constant 0 : index
    %get3A_1 = arith.constant 0 : index
    %get3A_2 = vector.load %arg1[%get3A, %get3A_0, %get3A_1] : memref<1x4096x64xf32, #tpu.memory_space<vmem>>, vector<1x4096x64xf32>
    %get3A_3 = vector.shape_cast %get3A_2 : vector<1x4096x64xf32> to vector<4096x64xf32>
    %get3A_4 = arith.constant 0 : index
    %get3A_5 = arith.constant 0 : index
    %get3A_6 = arith.constant 0 : index
    %get3A_7 = vector.load %arg2[%get3A_4, %get3A_5, %get3A_6] : memref<1x4096x64xf32, #tpu.memory_space<vmem>>, vector<1x4096x64xf32>
    %get3A_8 = vector.shape_cast %get3A_7 : vector<1x4096x64xf32> to vector<4096x64xf32>
    %sub3A = arith.subf %get3A_3, %get3A_8 : vector<4096x64xf32>
    %mul3A = arith.mulf %sub3A, %sub3A : vector<4096x64xf32>
    %reduce_sum3A = vector.shape_cast %mul3A : vector<4096x64xf32> to vector<1x4096x64xf32>
    %reduce_sum3A_9 = arith.constant dense<0.000000e+00> : vector<1xf32>
    %reduce_sum3A_10 = vector.multi_reduction <add>, %reduce_sum3A, %reduce_sum3A_9 [1, 2] : vector<1x4096x64xf32> to vector<1xf32>
    %reduce_sum3A_11 = vector.shape_cast %reduce_sum3A_10 : vector<1xf32> to vector<1x1x1xf32>
    %reduce_sum3A_12 = vector.extract %reduce_sum3A_11[0, 0, 0] : f32 from vector<1x1x1xf32>
    %mul3A_13 = arith.constant 1.250000e+00 : f32
    %mul3A_14 = arith.mulf %mul3A_13, %reduce_sum3A_12 : f32
    %div3A = arith.constant 2.621440e+05 : f32
    %div3A_15 = arith.divf %mul3A_14, %div3A : f32
    %eq3A = arith.constant 0 : i32
    %eq3A_16 = arith.cmpi eq, %arg0, %eq3A : i32
    %convert_element_type3A = arith.extui %eq3A_16 : i1 to i32
    %cond3A = arith.constant 0 : i32
    %cond3A_17 = arith.cmpi ne, %convert_element_type3A, %cond3A : i32
    scf.if %cond3A_17 {
      %broadcast_in_dim3A_54 = arith.constant 0.000000e+00 : f32
      %broadcast_in_dim3A_55 = vector.broadcast %broadcast_in_dim3A_54 : f32 to vector<1x1xf32>
      %swap3A_56 = arith.constant 0 : index
      %swap3A_57 = arith.constant 0 : index
      %swap3A_58 = vector.load %arg4[%swap3A_56, %swap3A_57] : memref<1x1xf32, #tpu.memory_space<vmem>>, vector<1x1xf32>
      tpu.vector_store %arg4[%swap3A_56, %swap3A_57], %broadcast_in_dim3A_55 {strides = array<i32>} : memref<1x1xf32, #tpu.memory_space<vmem>>, vector<1x1xf32>,
    } else {
    }
    %get3A_18 = arith.constant 0 : index
    %get3A_19 = arith.constant 0 : index
    %get3A_20 = vector.load %arg4[%get3A_18, %get3A_19] : memref<1x1xf32, #tpu.memory_space<vmem>>, vector<1x1xf32>
    %broadcast_in_dim3A = vector.broadcast %div3A_15 : f32 to vector<1x1xf32>
    %add3A = arith.addf %get3A_20, %broadcast_in_dim3A : vector<1x1xf32>
    %swap3A = arith.constant 0 : index
    %swap3A_21 = arith.constant 0 : index
    %swap3A_22 = vector.load %arg4[%swap3A, %swap3A_21] : memref<1x1xf32, #tpu.memory_space<vmem>>, vector<1x1xf32>
    tpu.vector_store %arg4[%swap3A, %swap3A_21], %add3A {strides = array<i32>} : memref<1x1xf32, #tpu.memory_space<vmem>>, vector<1x1xf32>,
    %get3A_23 = arith.constant 0 : index
    %get3A_24 = arith.constant 0 : index
    %get3A_25 = arith.constant 0 : index
    %get3A_26 = vector.load %arg3[%get3A_23, %get3A_24, %get3A_25] : memref<1x2x8192xf32, #tpu.memory_space<vmem>>, vector<1x1x8192xf32>
    %get3A_27 = vector.shape_cast %get3A_26 : vector<1x1x8192xf32> to vector<8192xf32>
    %get3A_28 = arith.constant 0 : index
    %get3A_29 = arith.constant 1 : index
    %get3A_30 = arith.constant 0 : index
    %get3A_31 = vector.load %arg3[%get3A_28, %get3A_29, %get3A_30] : memref<1x2x8192xf32, #tpu.memory_space<vmem>>, vector<1x1x8192xf32>
    %get3A_32 = vector.shape_cast %get3A_31 : vector<1x1x8192xf32> to vector<8192xf32>
    %add3A_33 = arith.addf %get3A_27, %get3A_32 : vector<8192xf32>
    %mul3A_34 = arith.constant 2.44140625E-4 : f32
    %mul3A_35 = vector.broadcast %mul3A_34 : f32 to vector<8192xf32>
    %mul3A_36 = arith.mulf %add3A_33, %mul3A_35 : vector<8192xf32>
    %add3A_37 = arith.constant 1.000000e-10 : f32
    %add3A_38 = vector.broadcast %add3A_37 : f32 to vector<8192xf32>
    %add3A_39 = arith.addf %mul3A_36, %add3A_38 : vector<8192xf32>
    %log3A = math.log %add3A_39 : vector<8192xf32>
    %mul3A_40 = arith.mulf %mul3A_36, %log3A : vector<8192xf32>
    %reduce_sum3A_41 = vector.shape_cast %mul3A_40 : vector<8192xf32> to vector<1x8192xf32>
    %reduce_sum3A_42 = arith.constant dense<0.000000e+00> : vector<1xf32>
    %reduce_sum3A_43 = vector.multi_reduction <add>, %reduce_sum3A_41, %reduce_sum3A_42 [1] : vector<1x8192xf32> to vector<1xf32>
    %reduce_sum3A_44 = vector.shape_cast %reduce_sum3A_43 : vector<1xf32> to vector<1x1xf32>
    %reduce_sum3A_45 = vector.extract %reduce_sum3A_44[0, 0] : f32 from vector<1x1xf32>
    %neg3A = arith.constant 0.000000e+00 : f32
    %neg3A_46 = arith.subf %neg3A, %reduce_sum3A_45 : f32
    %exp3A = math.exp %neg3A_46 : f32
    %broadcast_in_dim3A_47 = vector.broadcast %exp3A : f32 to vector<128xf32>
    %swap3A_48 = arith.constant 0 : index
    %swap3A_49 = arith.constant 0 : index
    %swap3A_50 = arith.constant 0 : index
    %swap3A_51 = vector.load %arg5[%swap3A_48, %swap3A_49, %swap3A_50] : memref<1x1x128xf32, #tpu.memory_space<vmem>>, vector<1x1x128xf32>
    %swap3A_52 = vector.shape_cast %swap3A_51 : vector<1x1x128xf32> to vector<128xf32>
    %swap3A_53 = vector.shape_cast %broadcast_in_dim3A_47 : vector<128xf32> to vector<1x1x128xf32>
    tpu.vector_store %arg5[%swap3A_48, %swap3A_49, %swap3A_50], %swap3A_53 {strides = array<i32>} : memref<1x1x128xf32, #tpu.memory_space<vmem>>, vector<1x1x128xf32>,
    return
  }
  func.func @transform_0(%arg0: i32) -> (i32, i32, i32) {
    %c0_i32 = arith.constant 0 : i32
    %c0_i32_0 = arith.constant 0 : i32
    %c0_i32_1 = arith.constant 0 : i32
    return %arg0, %c0_i32, %c0_i32_0 : i32, i32, i32
  }
  func.func @transform_1(%arg0: i32) -> (i32, i32, i32) {
    %c0_i32 = arith.constant 0 : i32
    %c0_i32_0 = arith.constant 0 : i32
    %c0_i32_1 = arith.constant 0 : i32
    return %arg0, %c0_i32, %c0_i32_0 : i32, i32, i32
  }
  func.func @transform_2(%arg0: i32) -> (i32, i32, i32) {
    %c0_i32 = arith.constant 0 : i32
    %c0_i32_0 = arith.constant 0 : i32
    %c0_i32_1 = arith.constant 0 : i32
    return %arg0, %c0_i32, %c0_i32_0 : i32, i32, i32
  }
  func.func @transform_3(%arg0: i32) -> (i32, i32) {
    %c0_i32 = arith.constant 0 : i32
    %c0_i32_0 = arith.constant 0 : i32
    %c0_i32_1 = arith.constant 0 : i32
    return %c0_i32, %c0_i32_0 : i32, i32
  }
  func.func @transform_4(%arg0: i32) -> (i32, i32, i32) {
    %c0_i32 = arith.constant 0 : i32
    %c0_i32_0 = arith.constant 0 : i32
    %c0_i32_1 = arith.constant 0 : i32
    return %arg0, %c0_i32, %c0_i32_0 : i32, i32, i32
  }
}

</mosaic_0001>

<sc_bundles>
// kernel: kernel.5.cloned.1.call-start
scs
__scs_entry_jumppad:
0x0: {  	(pc) =	sbr.rel $0x88, $3  }
0x1: {  	(tag) =	ssettag $0x0;
	lr =	simm.s32 $0x1  }
0x2: {  	[smem:$0x3F9F] =	sst lr;
	_ =	strace $0xD0000000  }
0x3: {  	_ = 	snop  }
0x4: {  	_ = 	snop  }
0x5: {  	_ = 	snop  }
0x6: {  	_ = 	snop  }
0x7: {  	_ = 	snop  }
__scs_overlays_trampoline_lowered:
0x8: {  	[smem:$0x3FAE] =	sst s0  }
0x9: {  	[smem:$0x3FAF] =	sst s1  }
0xa: {  	[smem:$0x3FB0] =	sst s2  }
0xb: {  	[smem:$0x3FB1] =	sst s3  }
0xc: {  	[smem:$0x3FB2] =	sst s4  }
0xd: {  	[smem:$0x3FB3] =	sst s5  }
0xe: {  	[smem:$0x3FB4] =	sst s6  }
0xf: {  	[smem:$0x3FB5] =	sst s7  }
0x10: {  	[smem:$0x3FB6] =	sst s8  }
0x11: {  	[smem:$0x3FB7] =	sst s9;
	s0 =	simm.s32 @!p0 $0x0  }
0x12: {  	s1 =	sld [smem:$0x3F9D];
	s0 =	simm.s32 @p0 $0x1  }
0x13: {  	[smem:$0x3FB8] =	sst s0;
	s0 =	simm.s32 @!p1 $0x0  }
0x14: {  	s2 =	sld [smem:$0x3F9C];
	s0 =	simm.s32 @p1 $0x1  }
0x15: {  	[smem:$0x3FB9] =	sst s0;
	s0 =	simm.s32 @!p2 $0x0  }
0x16: {  	s3 =	sld [smem:$0x3FDB];
	s0 =	simm.s32 @p2 $0x1  }
0x17: {  	s4 =	simm.s32 $0x1BF5;
	[smem:$0x3FBB] =	sst s0  }
0x18: {  	s0 =	sld [smem:$0x3F9E];
	_ =	swait.ge [sflag:s4], $0x0  }
0x19: {  	s7 =	sld [smem:$0x3F9F]  }
0x1a: {  	s8 =	sadd.s32 $0xFFFFE003, lr  }
0x1b: {  	s9 =	sadd.s32 $0xFFFFFEF7, lr;
	s5 =	simm.s32 $0xFFFFFFFF;
	p2 =	slt.u32 s8, $0xFFFFF086  }
0x1c: {  	p1 =	slt.u32 s9, $0xF7A;
	s5 =	simm.s32 @!p2 $0x0  }
0x1d: {  	s5 =	simm.s32 @p1 $0x1;
	p0 =	seq.s32 s7, s2  }
0x1e: {  	s7 =	smul.u32 @!p0 $0xF7A, s2;
	p2 =	seq.s32 @!p0 s5, $0x0  }
0x1f: {  	s9 =	smul.u32 $0xF7A, s1;
	s8 =	simm.s32 @!p0 $0x1BF5;
	p2 =	por !p2, p0  }
0x20: {  	[sflag:s8] =	ssyncset.s32 @!p0 $0xFFFFF086;
	s6 =	sadd.s32 @!p0 s3, s7;
	s7 =	simm.s32 @!p0 $0x108  }
0x21: {  	s3 =	sadd.s32 s3, s9;
	s6 =	sadd.s32 @!p0 $0x88, s6;
	s7 =	simm.s32 @p2 $0x1082  }
0x22: {  	[simem:s7], [sflag:s8] =	dma.local @!p0 [hbm:s6], $0xF7A  }
0x23: {  	s9 =	sor.u32 $0xD0000000, s2;
	s6 =	simm.s32 $0x108;
	_ =	swait.ge @!p0 [sflag:s8], $0x0  }
0x24: {  	s3 =	sadd.s32 $0x88, s3;
	s6 =	simm.s32 @!p1 $0x1082;
	[sflag:s4] =	ssyncset.s32 $0xFFFFF086  }
0x25: {  	[simem:s6], [sflag:s4] =	dma.local [hbm:s3], $0xF7A  }
0x26: {  	[smem:$0x3F9F] =	sst s1;
	(tag) =	ssettag s2;
	_ =	strace s9  }
0x27: {  	s1 =	sld [smem:$0x3FAF]  }
0x28: {  	s2 =	sld [smem:$0x3FB0]  }
0x29: {  	s4 =	sld [smem:$0x3FB2]  }
0x2a: {  	p0 =	seq.s32 s5, $0x0;
	s5 =	sld [smem:$0x3FB3]  }
0x2b: {  	s6 =	sld [smem:$0x3FB4]  }
0x2c: {  	s7 =	sld [smem:$0x3FB5]  }
0x2d: {  	s3 =	simm.s32 $0x108;
	s8 =	sld [smem:$0x3FB6]  }
0x2e: {  	s3 =	simm.s32 @!p0 $0x1082;
	s9 =	sld [smem:$0x3FB7]  }
0x2f: {  	lr =	sadd.s32 s0, s3;
	s0 =	sld [smem:$0x3FAE]  }
0x30: {  	s3 =	sld [smem:$0x3FB1]  }
0x31: {  	[smem:$0x3FBA] =	sst s10  }
0x32: {  	s10 =	sld [smem:$0x3FB8];
	_ =	sdelay $0x3  }
0x33: {  	p0 =	seq.s32 s10, $0x1;
	s10 =	sld [smem:$0x3FBA];
	_ =	sdelay $0x3  }
0x34: {  	[smem:$0x3FBA] =	sst s10  }
0x35: {  	s10 =	sld [smem:$0x3FB9];
	_ =	sdelay $0x3  }
0x36: {  	p1 =	seq.s32 s10, $0x1;
	s10 =	sld [smem:$0x3FBA];
	_ =	sdelay $0x3  }
0x37: {  	[smem:$0x3FBA] =	sst s10  }
0x38: {  	s10 =	sld [smem:$0x3FBB]  }
0x39: {  	_ = 	snop;
	(pc) =	sbr.ind lr, $3  }
0x3a: {  	_ = 	snop  }
0x3b: {  	_ = 	snop  }
0x3c: {  	p2 =	seq.s32 s10, $0x1;
	s10 =	sld [smem:$0x3FBA]  }
0x3d: {  	_ =	shalt  }
0x3e: {  	_ =	shalt  }
0x3f: {  	_ =	shalt  }
0x40: {  	_ =	shalt  }
0x41: {  	_ =	shalt  }
0x42: {  	_ =	shalt  }
0x43: {  	_ =	shalt  }
0x44: {  	_ =	shalt  }
0x45: {  	_ =	shalt  }
0x46: {  	_ =	shalt  }
0x47: {  	_ =	shalt  }
0x48: {  	_ =	shalt  }
0x49: {  	_ =	shalt  }
0x4a: {  	_ =	shalt  }
0x4b: {  	_ =	shalt  }
0x4c: {  	_ =	shalt  }
0x4d: {  	_ =	shalt  }
0x4e: {  	_ =	shalt  }
0x4f: {  	_ =	shalt  }
0x50: {  	_ =	shalt  }
0x51: {  	_ =	shalt  }
0x52: {  	_ =	shalt  }
0x53: {  	_ =	shalt  }
0x54: {  	_ =	shalt  }
0x55: {  	_ =	shalt  }
0x56: {  	_ =	shalt  }
0x57: {  	_ =	shalt  }
0x58: {  	_ =	shalt  }
0x59: {  	_ =	shalt  }
0x5a: {  	_ =	shalt  }
0x5b: {  	_ =	shalt  }
0x5c: {  	_ =	shalt  }
0x5d: {  	_ =	shalt  }
0x5e: {  	_ =	shalt  }
0x5f: {  	_ =	shalt  }
0x60: {  	_ =	shalt  }
0x61: {  	_ =	shalt  }
0x62: {  	_ =	shalt  }
0x63: {  	_ =	shalt  }
0x64: {  	_ =	shalt  }
0x65: {  	_ =	shalt  }
0x66: {  	_ =	shalt  }
0x67: {  	_ =	shalt  }
0x68: {  	_ =	shalt  }
0x69: {  	_ =	shalt  }
0x6a: {  	_ =	shalt  }
0x6b: {  	_ =	shalt  }
0x6c: {  	_ =	shalt  }
0x6d: {  	_ =	shalt  }
0x6e: {  	_ =	shalt  }
0x6f: {  	_ =	shalt  }
0x70: {  	_ =	shalt  }
0x71: {  	_ =	shalt  }
0x72: {  	_ =	shalt  }
0x73: {  	_ =	shalt  }
0x74: {  	_ =	shalt  }
0x75: {  	_ =	shalt  }
0x76: {  	_ =	shalt  }
0x77: {  	_ =	shalt  }
0x78: {  	_ =	shalt  }
0x79: {  	_ =	shalt  }
0x7a: {  	_ =	shalt  }
0x7b: {  	_ =	shalt  }
0x7c: {  	_ =	shalt  }
0x7d: {  	_ =	shalt  }
0x7e: {  	_ =	shalt  }
0x7f: {  	_ =	shalt  }
0x80: {  	_ =	shalt  }
0x81: {  	_ =	shalt  }
0x82: {  	_ =	shalt  }
0x83: {  	_ =	shalt  }
0x84: {  	_ =	shalt  }
0x85: {  	_ =	shalt  }
0x86: {  	_ =	shalt  }
0x87: {  	_ =	shalt  }
.Lfunc_end0:
.L_simem_size_0:
called_computation_lowered:
.L_overlay_start_0:
0x88: {  	s2 =	sld [smem:$0x3FD9]  }
0x89: {  	s3 =	sld [smem:$0x3FFE];
	_ =	sdelay $0x1  }
0x8a: {  	s1 =	srdreg.scid  }
0x8b: {  	s0 =	sand.u32 $0x1, s1  }
0x8c: {  	s14 =	sshll.u32 s0, $0xA;
	s2 =	sadd.s32 s3, s2  }
0x8d: {  	s2 =	sadd.s32 s2, s14  }
0x8e: {  	[smem:$0x3FC6] =	sst s2  }
0x8f: {  	_ = 	snop  }
0x90: {  	s2 =	sld [smem:$0x3FD0];
	_ =	sdelay $0x2  }
0x91: {  	s15 =	simm.s32 $0xA;
	s4 =	simm.s32 $0x10  }
0x92: {  	[smem:s4], [sflag:s15] =	dma.local [hbm:s2], $0x1  }
0x93: {  	_ =	swait.eq [sflag:s15], $0x1  }
0x94: {  	[sflag:s15] =	ssyncset.done $0x0  }
0x95: {  	[sflag:s15] =	ssyncadd.s32 $0xFFFFFFFF  }
0x96: {  	s16 =	sld [smem:$0x10];
	(tm) =	ssettm $0x1  }
0x97: {  	s17 =	sld [smem:$0x3FFB];
	_ =	sdelay $0x3  }
0x98: {  	_ =	strace s17  }
0x99: {  	s3 =	sld [smem:$0x3FFC];
	_ =	sdelay $0x3  }
0x9a: {  	_ =	strace s3  }
0x9b: {  	s3 =	sld [smem:$0x3FFD];
	_ =	sdelay $0x3  }
0x9c: {  	_ =	strace s3  }
0x9d: {  	_ =	strace $0x8FFFFFFF  }
0x9e: {  	s18 =	sld [smem:$0x3FDB];
	_ =	sdelay $0x1  }
0x9f: {  	s19 =	simm.s32 $_scs_section_size  }
0xa0: {  	s5 =	simm.s32 $_size__tile_overlayer_lowered;
	s6 =	simm.s32 $_tile_overlayer_lowered  }
0xa1: {  	s22 =	simm.s32 $0x1BFF;
	s21 =	sshll.u32 s6, $0x1;
	s3 =	sadd.s32 s19, s18  }
0xa2: {  	s7 =	simm.s32 $0x0;
	s20 =	sshll.u32 s5, $0x1;
	s5 =	sadd.s32 s21, s3  }
0xa3: {  	[timem:s7], [sflag:s22] =	dma.local [hbm:s5], s20  }
0xa4: {  	_ =	swait.ge [sflag:s22], s20  }
0xa5: {  	s4 =	ssub.s32 $0x0, s20;
	[sflag:s22] =	ssyncset.done $0x0  }
0xa6: {  	[sflag:s22] =	ssyncadd.s32 s4;
	_ =	sdelay $0x1  }
0xa7: {  	s23 =	simm.s32 $0x1B8B  }
0xa8: {  	_ =	swait.ge [sflag:s23], $0x1  }
0xa9: {  	[sflag:s23] =	ssyncset.done $0x0  }
0xaa: {  	s25 =	simm.s32 $0x1B8E;
	s24 =	sld [smem:$0x3FFE];
	[sflag:s23] =	ssyncadd.s32 $0xFFFFFFFF  }
0xab: {  	s26 =	simm.s32 $execute0_lowered;
	[smem:$0x3FD2] =	sst s25  }
0xac: {  	s5 =	sshll.u32 s26, $0x1;
	_ =	strace $0x80000046;
	[dreg:$0x1] =	wrdreg $0xFFFFFFFF  }
0xad: {  	s28 =	simm.s32 $_size_execute0_lowered;
	s3 =	sadd.s32 s3, s5;
	[dreg:$0x0] =	wrdreg $0x0  }
0xae: {  	s5 =	sshll.u32 s28, $0x1;
	[dreg:$0x2] =	wrdreg s3  }
0xaf: {  	[dreg:$0x3] =	wrdreg s5  }
0xb0: {  	[dreg:$0x4] =	wrdreg $0xC0  }
0xb1: {  	_ =	task [dreg:s7], $0x5FFFF  }
0xb2: {  	[dreg:$0x1] =	wrdreg $0xFFFFFFFF  }
0xb3: {  	[dreg:$0x0] =	wrdreg $0x60  }
0xb4: {  	[dreg:$0x2] =	wrdreg s24  }
0xb5: {  	[dreg:$0x3] =	wrdreg s16  }
0xb6: {  	[dreg:$0x4] =	wrdreg $0x118000  }
0xb7: {  	[dreg:$0x5] =	wrdreg $0x9  }
0xb8: {  	_ =	task.clear_ibuf [dreg:s7], $0x6FFFF;
	_ =	strace $0x90000046  }
0xb9: {  	s29 =	simm.s32 $0x9;
	_ =	strace $0x80000048  }
0xba: {  	_ =	swait.ge [sflag:s29], $0x1  }
0xbb: {  	[sflag:s29] =	ssyncadd.s32 $0xFFFFFFFF  }
0xbc: {  	_ =	strace $0x90000048  }
0xbd: {  	_ =	sfence  }
0xbe: {  	s30 =	sld [smem:$0x0];
	_ =	sdelay $0x2  }
0xbf: {  	s31 =	sshll.u32 s1, $0xD;
	s1 =	sshrl.u32 s1, $0x2  }
0xc0: {  	s3 =	sand.u32 $0x4000, s31;
	s1 =	sadd.s32 s1, s30  }
0xc1: {  	s0 =	sor.u32 s3, s0;
	s1 =	sshll.u32 s1, $0x11  }
0xc2: {  	s0 =	sor.u32 s1, s0  }
0xc3: {  	s0 =	sadd.s32 $0x8F2B, s0  }
0xc4: {  	[sflag:s0] =	ssyncadd.remote.s32 $0x1  }
0xc5: {  	_ =	sfence.sel $0xFFFF  }
0xc6: {  	[dreg:$0x0] =	wrdreg $0xFFFFFFFF;
	(pc) =	sbr.abs _section_cstart, $3  }
0xc7: {  	[dreg:$0x1] =	wrdreg $0xFFFFFFFF  }
0xc8: {  	_ =	task.clear_ibuf [dreg:s7], $0x2FFFF;
	_ =	strace $0x9FFFFFFF  }
0xc9: {  	(tm) =	ssettm $0x7FFFFFFF  }
tec
execute0_lowered:
.L_overlay_start_1:
0x0: {  	(tag) =	ssettag $0x1  }
0x1: {  	s5 =	rddreg [dreg:$0x0]  }
0x2: {  	s8 =	rddreg [dreg:$0x1]  }
0x3: {  	s2 =	rddreg [dreg:$0x2]  }
0x4: {  	s0 =	rddreg [dreg:$0x3]  }
0x5: {  	s4 =	srdreg.scid;
	s3 =	simm.s32 $0x0;
	s1 =	stileid.u32  }
0x6: {  	s14 =	simm.s32 $0x400;
	s15 =	simm.s32 $0x1;
	s16 =	simm.s32 $0x10400  }
0x7: {  	s19 =	simm.s32 $0x20;
	s20 =	simm.s32 $0x10;
	s21 =	simm.s32 $0x0  }
0x8: {  	s6 =	sand.u32 $0x1, s4;
	[smem:$0x7FF] =	sst s3;
	s28 =	sshll.u32 s1, $0xB  }
0x9: {  	s4 =	sadd.s32 $0x182000, s5;
	s29 =	sshll.u32 s1, $0xC;
	s30 =	sshll.u32 s1, $0xA  }
0xa: {  	s17 =	sshll.u32 s1, $0x6;
	s7 =	sshll.u32 s6, $0xA;
	_ =	strace $0x80000047  }
0xb: {  	s10 =	ssub.s32 $0x2, s6;
	s13 =	sshll.u32 s6, $0x4;
	s17 =	sor.u32 $0x1C02, s17  }
0xc: {  	s7 =	sor.u32 s7, s28;
	s11 =	sshrl.u32 s10, $0x1;
	s31 =	sadd.s32 s8, s13  }
0xd: {  	s13 =	simm.s32 $0x200;
	s9 =	sshrl.u32 s7, $0x3;
	s7 =	sshll.u32 s7, $0x4  }
0xe: {  	s10 =	ssub.s32 s10, s11;
	s11 =	simm.s32 $0x10800;
	s9 =	sadd.s32 s9, s5  }
0xf: {  	s12 =	sadd.s32 s7, s5;
	s5 =	sadd.s32 s29, s2;
	s10 =	smax.u32 s10, $0x1  }
0x10: {  	s6 =	sadd.s32 $0x181000, s9;
	s7 =	sadd.s32 $0x81000, s12;
	s8 =	sadd.s32 $0x83000, s12  }
0x11: {  	v0 =	vimm.f32 $0.0e+00;
	v1 =	vimm.f32 $1.000000000e+00;
	s9 =	sadd.s32 s30, s31;
	s12 =	simm.s32 $0x2;
	s18 =	sshrl.u32 s5, $0x3  }
.LBB2_1:
0x12: {  	s22 =	simm.s32 $0x0  }
.LBB2_2:
0x13: {  	p0 =	sne.s32 s22, $0x3FC0  }
.Ltmp0:
0x14: {  	_ = 	snop;
	(pc) =	sbr.rel @p0 .LBB2_2-.Ltmp0, $3  }
0x15: {  	_ =	sdelay $0x1  }
0x16: {  	s23 =	sshra.s32 s22, $0x2  }
0x17: {  	s22 =	sadd.s32 $0x40, s22;
	[tilespmem:s23+$0x10800] =	vst v0  }
0x18: {  	s22 =	simm.s32 $0x40;
	s23 =	simm.s32 $0x0  }
.LBB2_4:
0x19: {  	p0 =	sne.s32 s22, $0xFC0;
	[tilespmem:s23+$0x10400] =	vst v1;
	s23 =	smov.u32 s22;
	s22 =	sadd.s32 $0x40, s22  }
.Ltmp1:
0x1a: {  	(pc) =	sbr.rel @p0 .LBB2_4-.Ltmp1, $2  }
0x1b: {  	_ =	sdelay $0x2  }
0x1c: {  	s23 =	sshra.s32 s23, $0x2  }
0x1d: {  	[tilespmem:s23+$0x10400] =	vst v1  }
0x1e: {  	[spmem:s5] =	stream.linear.scatter [tilespmem:s11], [sflag:$0x2], $0x1000, $0x38;
	[tilespmem:$0x12800] =	vst v63  }
0x1f: {  	_ =	swait.ge [sflag:s12], $0x1000  }
0x20: {  	[sflag:s12] =	ssyncset.done $0x0  }
0x21: {  	[sflag:s12] =	ssyncadd.s32 $0xFFFFF000  }
0x22: {  	[tilespmem:s3], [sflag:$0x2] =	stream.linear.gather [hbm4b:s6+s3], $0x400, $0x38;
	[tilespmem:$0x12800] =	vst v63  }
0x23: {  	_ =	swait.ge [sflag:s12], $0x400  }
0x24: {  	[sflag:s12] =	ssyncset.done $0x0  }
0x25: {  	[sflag:s12] =	ssyncadd.s32 $0xFFFFFC00  }
0x26: {  	[tilespmem:s14], [sflag:$0x1] =	stream.indirect.gather [hbm4b:s4+s13], $0x80, s3, s13, $0xb8;
	[tilespmem:$0x12800] =	vst v63  }
0x27: {  	_ =	swait.ge [sflag:s15], $0x10000  }
0x28: {  	[sflag:s15] =	ssyncset.done $0x0  }
0x29: {  	[sflag:s15] =	ssyncadd.s32 $0xFFFF0000  }
0x2a: {  	[hbm4b:s7+s3] =	stream.linear.scatter [tilespmem:s14], [sflag:$0x2], $0x10000, $0x38;
	[tilespmem:$0x12800] =	vst v63  }
0x2b: {  	_ =	swait.ge [sflag:s12], $0x10000  }
0x2c: {  	[sflag:s12] =	ssyncset.done $0x0  }
0x2d: {  	[sflag:s12] =	ssyncadd.s32 $0xFFFF0000  }
0x2e: {  	[tilespmem:s14], [sflag:$0x1] =	stream.indirect.gather [hbm4b:s4+s13], $0x80, s13, s13, $0xb8;
	[tilespmem:$0x12800] =	vst v63  }
0x2f: {  	_ =	swait.ge [sflag:s15], $0x10000  }
0x30: {  	[sflag:s15] =	ssyncset.done $0x0  }
0x31: {  	[sflag:s15] =	ssyncadd.s32 $0xFFFF0000  }
0x32: {  	[hbm4b:s8+s3] =	stream.linear.scatter [tilespmem:s14], [sflag:$0x2], $0x10000, $0x38;
	[tilespmem:$0x12800] =	vst v63  }
0x33: {  	_ =	swait.ge [sflag:s12], $0x10000  }
0x34: {  	[sflag:s12] =	ssyncset.done $0x0  }
0x35: {  	[sflag:s12] =	ssyncadd.s32 $0xFFFF0000  }
0x36: {  	[bflag:$0x0] =	sbarrier.arrive $0xFFFF  }
0x37: {  	[spmem:s2] =	stream.indirect.scatter.add.f32 [tilespmem:s16], [sflag:$0x2], $0x1, s3, s14, $0xb8;
	[tilespmem:$0x12800] =	vst v63  }
0x38: {  	_ =	swait.ge [sflag:s12], $0x400  }
0x39: {  	s21 =	sadd.s32 $0x1, s21;
	[sflag:s12] =	ssyncset.done $0x0  }
0x3a: {  	p0 =	sne.s32 s21, s10;
	[sflag:s12] =	ssyncadd.s32 $0xFFFFFC00  }
.Ltmp2:
0x3b: {  	[bflag:$0x0] =	sbarrier.arrive $0xFFFF;
	(pc) =	sbr.rel @p0 .LBB2_1-.Ltmp2, $4  }
0x3c: {  	[hbm:s9@s19], [sflag:s17] =	dma.strided [spmem:s18@s20], $0x200, s15, $0x10   }
0x3d: {  	_ =	swait.ge [sflag:s12], $0x200  }
0x3e: {  	[sflag:s12] =	ssyncset.done $0x0  }
0x3f: {  	[sflag:s12] =	ssyncadd.s32 $0xFFFFFE00  }
0x40: {  	_ =	sfence.sel $0x180000  }
0x41: {  	[bflag:$0x0] =	sbarrier.arrive $0xFFFF  }
0x42: {  	p0 =	sne.s32 s1, $0x0;
	_ =	strace $0x90000047  }
0x43: {  	s0 =	sadd.s32 @!p0 $0x100000, s0;
	[bflag:$0x2] =	sbarrier.arrive $0xFFFF  }
0x44: {  	[sflag:s0] =	ssyncadd.tile.s32 @!p0 $0x1;
	_ =	shalt  }
.Lfunc_end2:
_tile_overlayer_lowered:
.L_overlay_start_2:
0x45: {  	(tag) =	ssettag $0x2  }
0x46: {  	s0 =	rddreg [dreg:$0x0];
	s2 =	stileid.u32  }
0x47: {  	s1 =	rddreg [dreg:$0x1];
	p0 =	sne.s32 s2, $0x0  }
0x48: {  	s3 =	rddreg [dreg:$0x2];
	[bflag:$0x3] =	sbarrier.arrive $0xFFFF;
	s2 =	simm.s32 @!p0 $0x1C02  }
0x49: {  	[timem:s3], [sflag:s2] =	dma.local @!p0 [hbm:s0], s1  }
0x4a: {  	s0 =	simm.s32 @!p0 $0x2  }
0x4b: {  	_ =	swait.ge @!p0 [sflag:s0], s1  }
0x4c: {  	s1 =	ssub.s32 @!p0 $0x0, s1;
	[sflag:s0] =	ssyncset.done @!p0 $0x0  }
0x4d: {  	[sflag:s0] =	ssyncadd.s32 @!p0 s1  }
0x4e: {  	[bflag:$0x3] =	sbarrier.arrive $0xFFFF  }
0x4f: {  	_ =	shalt  }

</sc_bundles>
